<compile_context>
chip_gen: v7x
topology: tpu7x:2x2x1
jax: 0.10.2.dev20260603
libtpu: 0.0.44.dev20260713+nightly
codegen_flags: <defaults>
</compile_context>

<pallas_src>
import functools

import jax
import jax.numpy as jnp
from jax import lax
from jax.experimental import pallas as pl
from jax.experimental.pallas import tpu as pltpu
from jax.experimental.pallas import tpu_sc as plsc

B, S, D = 4, 8192, 8
V = 64
NW = 32
ST = S // 128
ST_PW = B * ST // NW
TPW = ST_PW * 128
IN_PW = TPW * D
OUT_PW = TPW * V
MAGIC = 12582912.0


@functools.partial(
    pl.kernel,
    mesh=plsc.VectorSubcoreMesh(core_axis_name="c", subcore_axis_name="s"),
    out_type=(
        jax.ShapeDtypeStruct((B * S * V,), jnp.float32),
        jax.ShapeDtypeStruct((B * S * D,), jnp.float32),
    ),
    compiler_params=pltpu.CompilerParams(
        needs_layout_passes=False,
        disable_bounds_checks=True,
        disable_semaphore_checks=True,
    ),
    scratch_types=[
        pltpu.VMEM((IN_PW,), jnp.float32),
        pltpu.VMEM((OUT_PW,), jnp.float32),
        pltpu.SemaphoreType.DMA,
        pltpu.SemaphoreType.DMA,
    ],
)
def _sc_fake_logits(x_hbm, out_hbm, hid_hbm, x_v, o_v, in_sem, out_sem):
    cid = lax.axis_index("c")
    sid = lax.axis_index("s")
    wid = sid * 2 + cid
    b = lax.shift_right_logical(wid, 3)
    st0 = lax.bitwise_and(wid, 7) * ST_PW
    lane = lax.iota(jnp.int32, 16)

    in_off = b * (S * D) + st0 * (128 * D)
    in_cp = pltpu.async_copy(x_hbm.at[pl.ds(in_off, IN_PW)], x_v, in_sem)

    zeros = jnp.zeros((16,), jnp.float32)

    def zbody(i, carry):
        o_v[pl.ds(i * 16, 16)] = zeros
        return carry

    lax.fori_loop(0, OUT_PW // 16, zbody, 0, unroll=16)
    in_cp.wait()

    hid_cp = pltpu.async_copy(x_v, hid_hbm.at[pl.ds(in_off, IN_PW)], in_sem)

    def gbody(g, carry):
        base = lax.shift_right_logical(g, 3) * (128 * D) + lax.bitwise_and(g, 7) * 16
        xv = x_v[pl.ds(base, 16)]
        r = (xv + MAGIC) - MAGIC
        r = jnp.maximum(r, jnp.float32(0.0))
        idx = r.astype(jnp.int32) & (V - 1)
        val = idx.astype(jnp.float32) / jnp.float32(10.0)
        off = (
            jax.lax.shift_right_logical(idx, 3) * (128 * V)
            + jnp.bitwise_and(idx, 7) * 128
            + base
            + lane
        )
        plsc.store_scatter(o_v, [off], val)
        return carry

    lax.fori_loop(0, TPW // 16, gbody, 0, unroll=4)

    out_cps = []
    for vt in range(V // 8):
        dst = b * (S * V) + vt * (S * 8) + st0 * (128 * 8)
        out_cps.append(
            pltpu.async_copy(
                o_v.at[pl.ds(vt * (ST_PW * 128 * 8), ST_PW * 128 * 8)],
                out_hbm.at[pl.ds(dst, ST_PW * 128 * 8)],
                out_sem,
            )
        )
    for cp in out_cps:
        cp.wait()
    hid_cp.wait()


def kernel(inputs_embeds):
    x_phys = (
        inputs_embeds.reshape(B, ST, 128, D).transpose(0, 1, 3, 2).reshape(-1)
    )
    out_flat, hid_flat = _sc_fake_logits(x_phys)
    logits = (
        out_flat.reshape(B, V // 8, ST, 8, 128)
        .transpose(0, 2, 4, 1, 3)
        .reshape(B, S, V)
    )
    hidden = (
        hid_flat.reshape(B, ST, D, 128).transpose(0, 1, 3, 2).reshape(B, S, D)
    )
    return logits, hidden

# --- scband reference (transcript-rebuilt; emitter-appended) ---
"""Pipeline reference for scband-fake-model-72877005079142 (READ-ONLY COPY).

The authoritative reference and input builder live on the scoring server;
editing this copy changes nothing except your own understanding.
"""

import jax, jax.numpy as jnp
import numpy as np


def setup_inputs(seed: int = 0) -> dict:
    key = jax.random.key(seed)
    inputs_embeds = jax.random.normal(key, (4, 8192, 8), dtype=jnp.float32)
    return {"inputs_embeds": inputs_embeds}


def reference(inputs_embeds):
    hidden = inputs_embeds.astype(jnp.float32)
    B, S, _ = hidden.shape
    # token_basis = hidden[..., 0].round().long().clamp(min=0)
    token_basis = jnp.clip(jnp.round(hidden[..., 0]).astype(jnp.int32), 0, None)
    idx = token_basis % 64
    vals = idx.astype(jnp.float32) / 10.0
    bi = jnp.arange(B)[:, None]
    si = jnp.arange(S)[None, :]
    # scatter-overwrite along the vocab axis: logits.scatter_(-1, idx, vals)
    logits = jnp.zeros((B, S, 64), dtype=jnp.float32).at[bi, si, idx].set(vals)
    # module returns SimpleNamespace(logits=logits, hidden_states=[hidden, hidden])
    return logits, hidden

if __name__ == "__main__":
    import jax
    _d = setup_inputs()
    print(jax.jit(kernel)(*tuple(_d.values())))

</pallas_src>

<mosaic_0001>
#map = affine_map<(d0, d1) -> (0)>
module attributes {stable_mosaic.version = 14 : i64} {
  func.func @_sc_fake_logits(%arg0: i32, %arg1: i32, %arg2: memref<262144xf32, #tpu.memory_space<hbm>>, %arg3: memref<2097152xf32, #tpu.memory_space<hbm>>, %arg4: memref<262144xf32, #tpu.memory_space<hbm>>, %arg5: memref<8192xf32, #tpu.memory_space<vmem>>, %arg6: memref<65536xf32, #tpu.memory_space<vmem>>, %arg7: memref<!tpu.dma_semaphore, #tpu.memory_space<semaphore_mem>>, %arg8: memref<!tpu.dma_semaphore, #tpu.memory_space<semaphore_mem>>) attributes {dimension_semantics = [#tpu.dimension_semantics<core_parallel>, #tpu.dimension_semantics<subcore_parallel>], iteration_bounds = array<i64: 2, 16>, scalar_prefetch = 0 : i64, scratch_operands = 4 : i64, tpu.core_type = #tpu.core_type<sc_vector_subcore>, window_params = [{transform_indices = #map}, {transform_indices = #map}, {transform_indices = #map}]} {
    %mul3A = arith.constant 2 : i32
    %mul3A_0 = arith.muli %arg1, %mul3A : i32
    %add3A = arith.addi %mul3A_0, %arg0 : i32
    %shift_right_logical3A = arith.constant 3 : i32
    %shift_right_logical3A_1 = arith.shrui %add3A, %shift_right_logical3A : i32
    %and3A = arith.constant 7 : i32
    %and3A_2 = arith.andi %add3A, %and3A : i32
    %mul3A_3 = arith.constant 8 : i32
    %mul3A_4 = arith.muli %and3A_2, %mul3A_3 : i32
    %iota3A = tpu.iota {dimensions = array<i32: 0>} : vector<16xi32>
    %mul3A_5 = arith.constant 65536 : i32
    %mul3A_6 = arith.muli %shift_right_logical3A_1, %mul3A_5 : i32
    %mul3A_7 = arith.constant 1024 : i32
    %mul3A_8 = arith.muli %mul3A_4, %mul3A_7 : i32
    %add3A_9 = arith.addi %mul3A_6, %mul3A_8 : i32
    %dma_start3A = tpu.memref_slice %arg2[%add3A_9] : memref<262144xf32, #tpu.memory_space<hbm>> -> memref<8192xf32, #tpu.memory_space<hbm>>
    %dma_start3A_10 = tpu.memref_slice %arg2[%add3A_9] : memref<262144xf32, #tpu.memory_space<hbm>> -> memref<8192xf32, #tpu.memory_space<hbm>>
    tpu.enqueue_dma source(%dma_start3A_10 : memref<8192xf32, #tpu.memory_space<hbm>>) target(%arg5 : memref<8192xf32, #tpu.memory_space<vmem>>) target_semaphore(%arg7 : memref<!tpu.dma_semaphore, #tpu.memory_space<semaphore_mem>>)
    %broadcast_in_dim3A = arith.constant 0.000000e+00 : f32
    %broadcast_in_dim3A_11 = vector.broadcast %broadcast_in_dim3A : f32 to vector<16xf32>
    %scan3A = arith.constant 0 : i32
    %scan3A_12 = arith.constant 0 : i32
    %scan3A_13 = arith.constant 4096 : i32
    %scan3A_14 = arith.addi %scan3A_12, %scan3A_13 : i32
    %scan3A_15 = arith.constant 16 : i32
    scf.for %scan3A_180 = %scan3A_12 to %scan3A_14 step %scan3A_15  : i32 {
      %mul3A_181 = arith.constant 16 : i32
      %mul3A_182 = arith.muli %scan3A_180, %mul3A_181 : i32
      %swap3A = arith.index_cast %mul3A_182 : i32 to index
      %swap3A_183 = tpu.vector_load %arg6[%swap3A] {strides = array<i32>} : memref<65536xf32, #tpu.memory_space<vmem>>, vector<16xf32>,
      tpu.vector_store %arg6[%swap3A], %broadcast_in_dim3A_11 {strides = array<i32>} : memref<65536xf32, #tpu.memory_space<vmem>>, vector<16xf32>,
      %scan3A_184 = arith.constant 1 : i32
      %scan3A_185 = arith.addi %scan3A_180, %scan3A_184 : i32
      %mul3A_186 = arith.constant 16 : i32
      %mul3A_187 = arith.muli %scan3A_185, %mul3A_186 : i32
      %swap3A_188 = arith.index_cast %mul3A_187 : i32 to index
      %swap3A_189 = tpu.vector_load %arg6[%swap3A_188] {strides = array<i32>} : memref<65536xf32, #tpu.memory_space<vmem>>, vector<16xf32>,
      tpu.vector_store %arg6[%swap3A_188], %broadcast_in_dim3A_11 {strides = array<i32>} : memref<65536xf32, #tpu.memory_space<vmem>>, vector<16xf32>,
      %scan3A_190 = arith.constant 2 : i32
      %scan3A_191 = arith.addi %scan3A_180, %scan3A_190 : i32
      %mul3A_192 = arith.constant 16 : i32
      %mul3A_193 = arith.muli %scan3A_191, %mul3A_192 : i32
      %swap3A_194 = arith.index_cast %mul3A_193 : i32 to index
      %swap3A_195 = tpu.vector_load %arg6[%swap3A_194] {strides = array<i32>} : memref<65536xf32, #tpu.memory_space<vmem>>, vector<16xf32>,
      tpu.vector_store %arg6[%swap3A_194], %broadcast_in_dim3A_11 {strides = array<i32>} : memref<65536xf32, #tpu.memory_space<vmem>>, vector<16xf32>,
      %scan3A_196 = arith.constant 3 : i32
      %scan3A_197 = arith.addi %scan3A_180, %scan3A_196 : i32
      %mul3A_198 = arith.constant 16 : i32
      %mul3A_199 = arith.muli %scan3A_197, %mul3A_198 : i32
      %swap3A_200 = arith.index_cast %mul3A_199 : i32 to index
      %swap3A_201 = tpu.vector_load %arg6[%swap3A_200] {strides = array<i32>} : memref<65536xf32, #tpu.memory_space<vmem>>, vector<16xf32>,
      tpu.vector_store %arg6[%swap3A_200], %broadcast_in_dim3A_11 {strides = array<i32>} : memref<65536xf32, #tpu.memory_space<vmem>>, vector<16xf32>,
      %scan3A_202 = arith.constant 4 : i32
      %scan3A_203 = arith.addi %scan3A_180, %scan3A_202 : i32
      %mul3A_204 = arith.constant 16 : i32
      %mul3A_205 = arith.muli %scan3A_203, %mul3A_204 : i32
      %swap3A_206 = arith.index_cast %mul3A_205 : i32 to index
      %swap3A_207 = tpu.vector_load %arg6[%swap3A_206] {strides = array<i32>} : memref<65536xf32, #tpu.memory_space<vmem>>, vector<16xf32>,
      tpu.vector_store %arg6[%swap3A_206], %broadcast_in_dim3A_11 {strides = array<i32>} : memref<65536xf32, #tpu.memory_space<vmem>>, vector<16xf32>,
      %scan3A_208 = arith.constant 5 : i32
      %scan3A_209 = arith.addi %scan3A_180, %scan3A_208 : i32
      %mul3A_210 = arith.constant 16 : i32
      %mul3A_211 = arith.muli %scan3A_209, %mul3A_210 : i32
      %swap3A_212 = arith.index_cast %mul3A_211 : i32 to index
      %swap3A_213 = tpu.vector_load %arg6[%swap3A_212] {strides = array<i32>} : memref<65536xf32, #tpu.memory_space<vmem>>, vector<16xf32>,
      tpu.vector_store %arg6[%swap3A_212], %broadcast_in_dim3A_11 {strides = array<i32>} : memref<65536xf32, #tpu.memory_space<vmem>>, vector<16xf32>,
      %scan3A_214 = arith.constant 6 : i32
      %scan3A_215 = arith.addi %scan3A_180, %scan3A_214 : i32
      %mul3A_216 = arith.constant 16 : i32
      %mul3A_217 = arith.muli %scan3A_215, %mul3A_216 : i32
      %swap3A_218 = arith.index_cast %mul3A_217 : i32 to index
      %swap3A_219 = tpu.vector_load %arg6[%swap3A_218] {strides = array<i32>} : memref<65536xf32, #tpu.memory_space<vmem>>, vector<16xf32>,
      tpu.vector_store %arg6[%swap3A_218], %broadcast_in_dim3A_11 {strides = array<i32>} : memref<65536xf32, #tpu.memory_space<vmem>>, vector<16xf32>,
      %scan3A_220 = arith.constant 7 : i32
      %scan3A_221 = arith.addi %scan3A_180, %scan3A_220 : i32
      %mul3A_222 = arith.constant 16 : i32
      %mul3A_223 = arith.muli %scan3A_221, %mul3A_222 : i32
      %swap3A_224 = arith.index_cast %mul3A_223 : i32 to index
      %swap3A_225 = tpu.vector_load %arg6[%swap3A_224] {strides = array<i32>} : memref<65536xf32, #tpu.memory_space<vmem>>, vector<16xf32>,
      tpu.vector_store %arg6[%swap3A_224], %broadcast_in_dim3A_11 {strides = array<i32>} : memref<65536xf32, #tpu.memory_space<vmem>>, vector<16xf32>,
      %scan3A_226 = arith.constant 8 : i32
      %scan3A_227 = arith.addi %scan3A_180, %scan3A_226 : i32
      %mul3A_228 = arith.constant 16 : i32
      %mul3A_229 = arith.muli %scan3A_227, %mul3A_228 : i32
      %swap3A_230 = arith.index_cast %mul3A_229 : i32 to index
      %swap3A_231 = tpu.vector_load %arg6[%swap3A_230] {strides = array<i32>} : memref<65536xf32, #tpu.memory_space<vmem>>, vector<16xf32>,
      tpu.vector_store %arg6[%swap3A_230], %broadcast_in_dim3A_11 {strides = array<i32>} : memref<65536xf32, #tpu.memory_space<vmem>>, vector<16xf32>,
      %scan3A_232 = arith.constant 9 : i32
      %scan3A_233 = arith.addi %scan3A_180, %scan3A_232 : i32
      %mul3A_234 = arith.constant 16 : i32
      %mul3A_235 = arith.muli %scan3A_233, %mul3A_234 : i32
      %swap3A_236 = arith.index_cast %mul3A_235 : i32 to index
      %swap3A_237 = tpu.vector_load %arg6[%swap3A_236] {strides = array<i32>} : memref<65536xf32, #tpu.memory_space<vmem>>, vector<16xf32>,
      tpu.vector_store %arg6[%swap3A_236], %broadcast_in_dim3A_11 {strides = array<i32>} : memref<65536xf32, #tpu.memory_space<vmem>>, vector<16xf32>,
      %scan3A_238 = arith.constant 10 : i32
      %scan3A_239 = arith.addi %scan3A_180, %scan3A_238 : i32
      %mul3A_240 = arith.constant 16 : i32
      %mul3A_241 = arith.muli %scan3A_239, %mul3A_240 : i32
      %swap3A_242 = arith.index_cast %mul3A_241 : i32 to index
      %swap3A_243 = tpu.vector_load %arg6[%swap3A_242] {strides = array<i32>} : memref<65536xf32, #tpu.memory_space<vmem>>, vector<16xf32>,
      tpu.vector_store %arg6[%swap3A_242], %broadcast_in_dim3A_11 {strides = array<i32>} : memref<65536xf32, #tpu.memory_space<vmem>>, vector<16xf32>,
      %scan3A_244 = arith.constant 11 : i32
      %scan3A_245 = arith.addi %scan3A_180, %scan3A_244 : i32
      %mul3A_246 = arith.constant 16 : i32
      %mul3A_247 = arith.muli %scan3A_245, %mul3A_246 : i32
      %swap3A_248 = arith.index_cast %mul3A_247 : i32 to index
      %swap3A_249 = tpu.vector_load %arg6[%swap3A_248] {strides = array<i32>} : memref<65536xf32, #tpu.memory_space<vmem>>, vector<16xf32>,
      tpu.vector_store %arg6[%swap3A_248], %broadcast_in_dim3A_11 {strides = array<i32>} : memref<65536xf32, #tpu.memory_space<vmem>>, vector<16xf32>,
      %scan3A_250 = arith.constant 12 : i32
      %scan3A_251 = arith.addi %scan3A_180, %scan3A_250 : i32
      %mul3A_252 = arith.constant 16 : i32
      %mul3A_253 = arith.muli %scan3A_251, %mul3A_252 : i32
      %swap3A_254 = arith.index_cast %mul3A_253 : i32 to index
      %swap3A_255 = tpu.vector_load %arg6[%swap3A_254] {strides = array<i32>} : memref<65536xf32, #tpu.memory_space<vmem>>, vector<16xf32>,
      tpu.vector_store %arg6[%swap3A_254], %broadcast_in_dim3A_11 {strides = array<i32>} : memref<65536xf32, #tpu.memory_space<vmem>>, vector<16xf32>,
      %scan3A_256 = arith.constant 13 : i32
      %scan3A_257 = arith.addi %scan3A_180, %scan3A_256 : i32
      %mul3A_258 = arith.constant 16 : i32
      %mul3A_259 = arith.muli %scan3A_257, %mul3A_258 : i32
      %swap3A_260 = arith.index_cast %mul3A_259 : i32 to index
      %swap3A_261 = tpu.vector_load %arg6[%swap3A_260] {strides = array<i32>} : memref<65536xf32, #tpu.memory_space<vmem>>, vector<16xf32>,
      tpu.vector_store %arg6[%swap3A_260], %broadcast_in_dim3A_11 {strides = array<i32>} : memref<65536xf32, #tpu.memory_space<vmem>>, vector<16xf32>,
      %scan3A_262 = arith.constant 14 : i32
      %scan3A_263 = arith.addi %scan3A_180, %scan3A_262 : i32
      %mul3A_264 = arith.constant 16 : i32
      %mul3A_265 = arith.muli %scan3A_263, %mul3A_264 : i32
      %swap3A_266 = arith.index_cast %mul3A_265 : i32 to index
      %swap3A_267 = tpu.vector_load %arg6[%swap3A_266] {strides = array<i32>} : memref<65536xf32, #tpu.memory_space<vmem>>, vector<16xf32>,
      tpu.vector_store %arg6[%swap3A_266], %broadcast_in_dim3A_11 {strides = array<i32>} : memref<65536xf32, #tpu.memory_space<vmem>>, vector<16xf32>,
      %scan3A_268 = arith.constant 15 : i32
      %scan3A_269 = arith.addi %scan3A_180, %scan3A_268 : i32
      %mul3A_270 = arith.constant 16 : i32
      %mul3A_271 = arith.muli %scan3A_269, %mul3A_270 : i32
      %swap3A_272 = arith.index_cast %mul3A_271 : i32 to index
      %swap3A_273 = tpu.vector_load %arg6[%swap3A_272] {strides = array<i32>} : memref<65536xf32, #tpu.memory_space<vmem>>, vector<16xf32>,
      tpu.vector_store %arg6[%swap3A_272], %broadcast_in_dim3A_11 {strides = array<i32>} : memref<65536xf32, #tpu.memory_space<vmem>>, vector<16xf32>,
    }
    %scan3A_16 = arith.constant 4096 : i32
    %dma_wait3A = tpu.memref_slice %arg2[%add3A_9] : memref<262144xf32, #tpu.memory_space<hbm>> -> memref<8192xf32, #tpu.memory_space<hbm>>
    %dma_wait3A_17 = tpu.memref_slice %arg2[%add3A_9] : memref<262144xf32, #tpu.memory_space<hbm>> -> memref<8192xf32, #tpu.memory_space<hbm>>
    tpu.wait_dma2 semaphore(%arg7 : memref<!tpu.dma_semaphore, #tpu.memory_space<semaphore_mem>>) src(%dma_wait3A_17 : memref<8192xf32, #tpu.memory_space<hbm>>) dst(%arg5 : memref<8192xf32, #tpu.memory_space<vmem>>)
    %dma_start3A_18 = tpu.memref_slice %arg4[%add3A_9] : memref<262144xf32, #tpu.memory_space<hbm>> -> memref<8192xf32, #tpu.memory_space<hbm>>
    %dma_start3A_19 = tpu.memref_slice %arg4[%add3A_9] : memref<262144xf32, #tpu.memory_space<hbm>> -> memref<8192xf32, #tpu.memory_space<hbm>>
    tpu.enqueue_dma source(%arg5 : memref<8192xf32, #tpu.memory_space<vmem>>) target(%dma_start3A_19 : memref<8192xf32, #tpu.memory_space<hbm>>) target_semaphore(%arg7 : memref<!tpu.dma_semaphore, #tpu.memory_space<semaphore_mem>>)
    %scan3A_20 = arith.constant 0 : i32
    %scan3A_21 = arith.constant 0 : i32
    %scan3A_22 = arith.constant 64 : i32
    %scan3A_23 = arith.addi %scan3A_21, %scan3A_22 : i32
    %scan3A_24 = arith.constant 4 : i32
    scf.for %scan3A_180 = %scan3A_21 to %scan3A_23 step %scan3A_24  : i32 {
      %shift_right_logical3A_181 = arith.constant 3 : i32
      %shift_right_logical3A_182 = arith.shrui %scan3A_180, %shift_right_logical3A_181 : i32
      %mul3A_183 = arith.constant 1024 : i32
      %mul3A_184 = arith.muli %shift_right_logical3A_182, %mul3A_183 : i32
      %and3A_185 = arith.constant 7 : i32
      %and3A_186 = arith.andi %scan3A_180, %and3A_185 : i32
      %mul3A_187 = arith.constant 16 : i32
      %mul3A_188 = arith.muli %and3A_186, %mul3A_187 : i32
      %add3A_189 = arith.addi %mul3A_184, %mul3A_188 : i32
      %get3A = arith.index_cast %add3A_189 : i32 to index
      %get3A_190 = tpu.vector_load %arg5[%get3A] {strides = array<i32>} : memref<8192xf32, #tpu.memory_space<vmem>>, vector<16xf32>,
      %add3A_191 = arith.constant 0x4B400000 : f32
      %add3A_192 = vector.broadcast %add3A_191 : f32 to vector<16xf32>
      %add3A_193 = arith.addf %get3A_190, %add3A_192 : vector<16xf32>
      %sub3A = arith.constant 0x4B400000 : f32
      %sub3A_194 = vector.broadcast %sub3A : f32 to vector<16xf32>
      %sub3A_195 = arith.subf %add3A_193, %sub3A_194 : vector<16xf32>
      %max3A = arith.constant 0.000000e+00 : f32
      %max3A_196 = vector.broadcast %max3A : f32 to vector<16xf32>
      %max3A_197 = arith.maximumf %sub3A_195, %max3A_196 : vector<16xf32>
      %convert_element_type3A = arith.fptosi %max3A_197 : vector<16xf32> to vector<16xi32>
      %and3A_198 = arith.constant 63 : i32
      %and3A_199 = vector.broadcast %and3A_198 : i32 to vector<16xi32>
      %and3A_200 = arith.andi %convert_element_type3A, %and3A_199 : vector<16xi32>
      %convert_element_type3A_201 = arith.sitofp %and3A_200 : vector<16xi32> to vector<16xf32>
      %div3A = arith.constant 1.000000e+01 : f32
      %div3A_202 = vector.broadcast %div3A : f32 to vector<16xf32>
      %div3A_203 = arith.divf %convert_element_type3A_201, %div3A_202 : vector<16xf32>
      %shift_right_logical3A_204 = arith.constant 3 : i32
      %shift_right_logical3A_205 = vector.broadcast %shift_right_logical3A_204 : i32 to vector<16xi32>
      %shift_right_logical3A_206 = arith.shrui %and3A_200, %shift_right_logical3A_205 : vector<16xi32>
      %mul3A_207 = arith.constant 8192 : i32
      %mul3A_208 = vector.broadcast %mul3A_207 : i32 to vector<16xi32>
      %mul3A_209 = arith.muli %shift_right_logical3A_206, %mul3A_208 : vector<16xi32>
      %and3A_210 = arith.constant 7 : i32
      %and3A_211 = vector.broadcast %and3A_210 : i32 to vector<16xi32>
      %and3A_212 = arith.andi %and3A_200, %and3A_211 : vector<16xi32>
      %mul3A_213 = arith.constant 128 : i32
      %mul3A_214 = vector.broadcast %mul3A_213 : i32 to vector<16xi32>
      %mul3A_215 = arith.muli %and3A_212, %mul3A_214 : vector<16xi32>
      %add3A_216 = arith.addi %mul3A_209, %mul3A_215 : vector<16xi32>
      %add3A_217 = vector.broadcast %add3A_189 : i32 to vector<16xi32>
      %add3A_218 = arith.addi %add3A_216, %add3A_217 : vector<16xi32>
      %add3A_219 = arith.addi %add3A_218, %iota3A : vector<16xi32>
      tpu.vector_store_idx %arg6[%add3A_219], %div3A_203 : memref<65536xf32, #tpu.memory_space<vmem>>[vector<16xi32>], vector<16xf32>,
      %scan3A_220 = arith.constant 1 : i32
      %scan3A_221 = arith.addi %scan3A_180, %scan3A_220 : i32
      %shift_right_logical3A_222 = arith.constant 3 : i32
      %shift_right_logical3A_223 = arith.shrui %scan3A_221, %shift_right_logical3A_222 : i32
      %mul3A_224 = arith.constant 1024 : i32
      %mul3A_225 = arith.muli %shift_right_logical3A_223, %mul3A_224 : i32
      %and3A_226 = arith.constant 7 : i32
      %and3A_227 = arith.andi %scan3A_221, %and3A_226 : i32
      %mul3A_228 = arith.constant 16 : i32
      %mul3A_229 = arith.muli %and3A_227, %mul3A_228 : i32
      %add3A_230 = arith.addi %mul3A_225, %mul3A_229 : i32
      %get3A_231 = arith.index_cast %add3A_230 : i32 to index
      %get3A_232 = tpu.vector_load %arg5[%get3A_231] {strides = array<i32>} : memref<8192xf32, #tpu.memory_space<vmem>>, vector<16xf32>,
      %add3A_233 = arith.constant 0x4B400000 : f32
      %add3A_234 = vector.broadcast %add3A_233 : f32 to vector<16xf32>
      %add3A_235 = arith.addf %get3A_232, %add3A_234 : vector<16xf32>
      %sub3A_236 = arith.constant 0x4B400000 : f32
      %sub3A_237 = vector.broadcast %sub3A_236 : f32 to vector<16xf32>
      %sub3A_238 = arith.subf %add3A_235, %sub3A_237 : vector<16xf32>
      %max3A_239 = arith.constant 0.000000e+00 : f32
      %max3A_240 = vector.broadcast %max3A_239 : f32 to vector<16xf32>
      %max3A_241 = arith.maximumf %sub3A_238, %max3A_240 : vector<16xf32>
      %convert_element_type3A_242 = arith.fptosi %max3A_241 : vector<16xf32> to vector<16xi32>
      %and3A_243 = arith.constant 63 : i32
      %and3A_244 = vector.broadcast %and3A_243 : i32 to vector<16xi32>
      %and3A_245 = arith.andi %convert_element_type3A_242, %and3A_244 : vector<16xi32>
      %convert_element_type3A_246 = arith.sitofp %and3A_245 : vector<16xi32> to vector<16xf32>
      %div3A_247 = arith.constant 1.000000e+01 : f32
      %div3A_248 = vector.broadcast %div3A_247 : f32 to vector<16xf32>
      %div3A_249 = arith.divf %convert_element_type3A_246, %div3A_248 : vector<16xf32>
      %shift_right_logical3A_250 = arith.constant 3 : i32
      %shift_right_logical3A_251 = vector.broadcast %shift_right_logical3A_250 : i32 to vector<16xi32>
      %shift_right_logical3A_252 = arith.shrui %and3A_245, %shift_right_logical3A_251 : vector<16xi32>
      %mul3A_253 = arith.constant 8192 : i32
      %mul3A_254 = vector.broadcast %mul3A_253 : i32 to vector<16xi32>
      %mul3A_255 = arith.muli %shift_right_logical3A_252, %mul3A_254 : vector<16xi32>
      %and3A_256 = arith.constant 7 : i32
      %and3A_257 = vector.broadcast %and3A_256 : i32 to vector<16xi32>
      %and3A_258 = arith.andi %and3A_245, %and3A_257 : vector<16xi32>
      %mul3A_259 = arith.constant 128 : i32
      %mul3A_260 = vector.broadcast %mul3A_259 : i32 to vector<16xi32>
      %mul3A_261 = arith.muli %and3A_258, %mul3A_260 : vector<16xi32>
      %add3A_262 = arith.addi %mul3A_255, %mul3A_261 : vector<16xi32>
      %add3A_263 = vector.broadcast %add3A_230 : i32 to vector<16xi32>
      %add3A_264 = arith.addi %add3A_262, %add3A_263 : vector<16xi32>
      %add3A_265 = arith.addi %add3A_264, %iota3A : vector<16xi32>
      tpu.vector_store_idx %arg6[%add3A_265], %div3A_249 : memref<65536xf32, #tpu.memory_space<vmem>>[vector<16xi32>], vector<16xf32>,
      %scan3A_266 = arith.constant 2 : i32
      %scan3A_267 = arith.addi %scan3A_180, %scan3A_266 : i32
      %shift_right_logical3A_268 = arith.constant 3 : i32
      %shift_right_logical3A_269 = arith.shrui %scan3A_267, %shift_right_logical3A_268 : i32
      %mul3A_270 = arith.constant 1024 : i32
      %mul3A_271 = arith.muli %shift_right_logical3A_269, %mul3A_270 : i32
      %and3A_272 = arith.constant 7 : i32
      %and3A_273 = arith.andi %scan3A_267, %and3A_272 : i32
      %mul3A_274 = arith.constant 16 : i32
      %mul3A_275 = arith.muli %and3A_273, %mul3A_274 : i32
      %add3A_276 = arith.addi %mul3A_271, %mul3A_275 : i32
      %get3A_277 = arith.index_cast %add3A_276 : i32 to index
      %get3A_278 = tpu.vector_load %arg5[%get3A_277] {strides = array<i32>} : memref<8192xf32, #tpu.memory_space<vmem>>, vector<16xf32>,
      %add3A_279 = arith.constant 0x4B400000 : f32
      %add3A_280 = vector.broadcast %add3A_279 : f32 to vector<16xf32>
      %add3A_281 = arith.addf %get3A_278, %add3A_280 : vector<16xf32>
      %sub3A_282 = arith.constant 0x4B400000 : f32
      %sub3A_283 = vector.broadcast %sub3A_282 : f32 to vector<16xf32>
      %sub3A_284 = arith.subf %add3A_281, %sub3A_283 : vector<16xf32>
      %max3A_285 = arith.constant 0.000000e+00 : f32
      %max3A_286 = vector.broadcast %max3A_285 : f32 to vector<16xf32>
      %max3A_287 = arith.maximumf %sub3A_284, %max3A_286 : vector<16xf32>
      %convert_element_type3A_288 = arith.fptosi %max3A_287 : vector<16xf32> to vector<16xi32>
      %and3A_289 = arith.constant 63 : i32
      %and3A_290 = vector.broadcast %and3A_289 : i32 to vector<16xi32>
      %and3A_291 = arith.andi %convert_element_type3A_288, %and3A_290 : vector<16xi32>
      %convert_element_type3A_292 = arith.sitofp %and3A_291 : vector<16xi32> to vector<16xf32>
      %div3A_293 = arith.constant 1.000000e+01 : f32
      %div3A_294 = vector.broadcast %div3A_293 : f32 to vector<16xf32>
      %div3A_295 = arith.divf %convert_element_type3A_292, %div3A_294 : vector<16xf32>
      %shift_right_logical3A_296 = arith.constant 3 : i32
      %shift_right_logical3A_297 = vector.broadcast %shift_right_logical3A_296 : i32 to vector<16xi32>
      %shift_right_logical3A_298 = arith.shrui %and3A_291, %shift_right_logical3A_297 : vector<16xi32>
      %mul3A_299 = arith.constant 8192 : i32
      %mul3A_300 = vector.broadcast %mul3A_299 : i32 to vector<16xi32>
      %mul3A_301 = arith.muli %shift_right_logical3A_298, %mul3A_300 : vector<16xi32>
      %and3A_302 = arith.constant 7 : i32
      %and3A_303 = vector.broadcast %and3A_302 : i32 to vector<16xi32>
      %and3A_304 = arith.andi %and3A_291, %and3A_303 : vector<16xi32>
      %mul3A_305 = arith.constant 128 : i32
      %mul3A_306 = vector.broadcast %mul3A_305 : i32 to vector<16xi32>
      %mul3A_307 = arith.muli %and3A_304, %mul3A_306 : vector<16xi32>
      %add3A_308 = arith.addi %mul3A_301, %mul3A_307 : vector<16xi32>
      %add3A_309 = vector.broadcast %add3A_276 : i32 to vector<16xi32>
      %add3A_310 = arith.addi %add3A_308, %add3A_309 : vector<16xi32>
      %add3A_311 = arith.addi %add3A_310, %iota3A : vector<16xi32>
      tpu.vector_store_idx %arg6[%add3A_311], %div3A_295 : memref<65536xf32, #tpu.memory_space<vmem>>[vector<16xi32>], vector<16xf32>,
      %scan3A_312 = arith.constant 3 : i32
      %scan3A_313 = arith.addi %scan3A_180, %scan3A_312 : i32
      %shift_right_logical3A_314 = arith.constant 3 : i32
      %shift_right_logical3A_315 = arith.shrui %scan3A_313, %shift_right_logical3A_314 : i32
      %mul3A_316 = arith.constant 1024 : i32
      %mul3A_317 = arith.muli %shift_right_logical3A_315, %mul3A_316 : i32
      %and3A_318 = arith.constant 7 : i32
      %and3A_319 = arith.andi %scan3A_313, %and3A_318 : i32
      %mul3A_320 = arith.constant 16 : i32
      %mul3A_321 = arith.muli %and3A_319, %mul3A_320 : i32
      %add3A_322 = arith.addi %mul3A_317, %mul3A_321 : i32
      %get3A_323 = arith.index_cast %add3A_322 : i32 to index
      %get3A_324 = tpu.vector_load %arg5[%get3A_323] {strides = array<i32>} : memref<8192xf32, #tpu.memory_space<vmem>>, vector<16xf32>,
      %add3A_325 = arith.constant 0x4B400000 : f32
      %add3A_326 = vector.broadcast %add3A_325 : f32 to vector<16xf32>
      %add3A_327 = arith.addf %get3A_324, %add3A_326 : vector<16xf32>
      %sub3A_328 = arith.constant 0x4B400000 : f32
      %sub3A_329 = vector.broadcast %sub3A_328 : f32 to vector<16xf32>
      %sub3A_330 = arith.subf %add3A_327, %sub3A_329 : vector<16xf32>
      %max3A_331 = arith.constant 0.000000e+00 : f32
      %max3A_332 = vector.broadcast %max3A_331 : f32 to vector<16xf32>
      %max3A_333 = arith.maximumf %sub3A_330, %max3A_332 : vector<16xf32>
      %convert_element_type3A_334 = arith.fptosi %max3A_333 : vector<16xf32> to vector<16xi32>
      %and3A_335 = arith.constant 63 : i32
      %and3A_336 = vector.broadcast %and3A_335 : i32 to vector<16xi32>
      %and3A_337 = arith.andi %convert_element_type3A_334, %and3A_336 : vector<16xi32>
      %convert_element_type3A_338 = arith.sitofp %and3A_337 : vector<16xi32> to vector<16xf32>
      %div3A_339 = arith.constant 1.000000e+01 : f32
      %div3A_340 = vector.broadcast %div3A_339 : f32 to vector<16xf32>
      %div3A_341 = arith.divf %convert_element_type3A_338, %div3A_340 : vector<16xf32>
      %shift_right_logical3A_342 = arith.constant 3 : i32
      %shift_right_logical3A_343 = vector.broadcast %shift_right_logical3A_342 : i32 to vector<16xi32>
      %shift_right_logical3A_344 = arith.shrui %and3A_337, %shift_right_logical3A_343 : vector<16xi32>
      %mul3A_345 = arith.constant 8192 : i32
      %mul3A_346 = vector.broadcast %mul3A_345 : i32 to vector<16xi32>
      %mul3A_347 = arith.muli %shift_right_logical3A_344, %mul3A_346 : vector<16xi32>
      %and3A_348 = arith.constant 7 : i32
      %and3A_349 = vector.broadcast %and3A_348 : i32 to vector<16xi32>
      %and3A_350 = arith.andi %and3A_337, %and3A_349 : vector<16xi32>
      %mul3A_351 = arith.constant 128 : i32
      %mul3A_352 = vector.broadcast %mul3A_351 : i32 to vector<16xi32>
      %mul3A_353 = arith.muli %and3A_350, %mul3A_352 : vector<16xi32>
      %add3A_354 = arith.addi %mul3A_347, %mul3A_353 : vector<16xi32>
      %add3A_355 = vector.broadcast %add3A_322 : i32 to vector<16xi32>
      %add3A_356 = arith.addi %add3A_354, %add3A_355 : vector<16xi32>
      %add3A_357 = arith.addi %add3A_356, %iota3A : vector<16xi32>
      tpu.vector_store_idx %arg6[%add3A_357], %div3A_341 : memref<65536xf32, #tpu.memory_space<vmem>>[vector<16xi32>], vector<16xf32>,
    }
    %scan3A_25 = arith.constant 64 : i32
    %mul3A_26 = arith.constant 524288 : i32
    %mul3A_27 = arith.muli %shift_right_logical3A_1, %mul3A_26 : i32
    %add3A_28 = arith.constant 0 : i32
    %add3A_29 = arith.addi %mul3A_27, %add3A_28 : i32
    %mul3A_30 = arith.constant 1024 : i32
    %mul3A_31 = arith.muli %mul3A_4, %mul3A_30 : i32
    %add3A_32 = arith.addi %add3A_29, %mul3A_31 : i32
    %dma_start3A_33 = arith.constant 0 : i32
    %dma_start3A_34 = tpu.memref_slice %arg6[%dma_start3A_33] : memref<65536xf32, #tpu.memory_space<vmem>> -> memref<8192xf32, #tpu.memory_space<vmem>>
    %dma_start3A_35 = tpu.memref_slice %arg3[%add3A_32] : memref<2097152xf32, #tpu.memory_space<hbm>> -> memref<8192xf32, #tpu.memory_space<hbm>>
    %dma_start3A_36 = tpu.memref_slice %arg3[%add3A_32] : memref<2097152xf32, #tpu.memory_space<hbm>> -> memref<8192xf32, #tpu.memory_space<hbm>>
    %dma_start3A_37 = arith.constant 0 : i32
    %dma_start3A_38 = tpu.memref_slice %arg6[%dma_start3A_37] : memref<65536xf32, #tpu.memory_space<vmem>> -> memref<8192xf32, #tpu.memory_space<vmem>>
    tpu.enqueue_dma source(%dma_start3A_38 : memref<8192xf32, #tpu.memory_space<vmem>>) target(%dma_start3A_36 : memref<8192xf32, #tpu.memory_space<hbm>>) target_semaphore(%arg8 : memref<!tpu.dma_semaphore, #tpu.memory_space<semaphore_mem>>)
    %mul3A_39 = arith.constant 524288 : i32
    %mul3A_40 = arith.muli %shift_right_logical3A_1, %mul3A_39 : i32
    %add3A_41 = arith.constant 65536 : i32
    %add3A_42 = arith.addi %mul3A_40, %add3A_41 : i32
    %mul3A_43 = arith.constant 1024 : i32
    %mul3A_44 = arith.muli %mul3A_4, %mul3A_43 : i32
    %add3A_45 = arith.addi %add3A_42, %mul3A_44 : i32
    %dma_start3A_46 = arith.constant 8192 : i32
    %dma_start3A_47 = tpu.memref_slice %arg6[%dma_start3A_46] : memref<65536xf32, #tpu.memory_space<vmem>> -> memref<8192xf32, #tpu.memory_space<vmem>>
    %dma_start3A_48 = tpu.memref_slice %arg3[%add3A_45] : memref<2097152xf32, #tpu.memory_space<hbm>> -> memref<8192xf32, #tpu.memory_space<hbm>>
    %dma_start3A_49 = tpu.memref_slice %arg3[%add3A_45] : memref<2097152xf32, #tpu.memory_space<hbm>> -> memref<8192xf32, #tpu.memory_space<hbm>>
    %dma_start3A_50 = arith.constant 8192 : i32
    %dma_start3A_51 = tpu.memref_slice %arg6[%dma_start3A_50] : memref<65536xf32, #tpu.memory_space<vmem>> -> memref<8192xf32, #tpu.memory_space<vmem>>
    tpu.enqueue_dma source(%dma_start3A_51 : memref<8192xf32, #tpu.memory_space<vmem>>) target(%dma_start3A_49 : memref<8192xf32, #tpu.memory_space<hbm>>) target_semaphore(%arg8 : memref<!tpu.dma_semaphore, #tpu.memory_space<semaphore_mem>>)
    %mul3A_52 = arith.constant 524288 : i32
    %mul3A_53 = arith.muli %shift_right_logical3A_1, %mul3A_52 : i32
    %add3A_54 = arith.constant 131072 : i32
    %add3A_55 = arith.addi %mul3A_53, %add3A_54 : i32
    %mul3A_56 = arith.constant 1024 : i32
    %mul3A_57 = arith.muli %mul3A_4, %mul3A_56 : i32
    %add3A_58 = arith.addi %add3A_55, %mul3A_57 : i32
    %dma_start3A_59 = arith.constant 16384 : i32
    %dma_start3A_60 = tpu.memref_slice %arg6[%dma_start3A_59] : memref<65536xf32, #tpu.memory_space<vmem>> -> memref<8192xf32, #tpu.memory_space<vmem>>
    %dma_start3A_61 = tpu.memref_slice %arg3[%add3A_58] : memref<2097152xf32, #tpu.memory_space<hbm>> -> memref<8192xf32, #tpu.memory_space<hbm>>
    %dma_start3A_62 = tpu.memref_slice %arg3[%add3A_58] : memref<2097152xf32, #tpu.memory_space<hbm>> -> memref<8192xf32, #tpu.memory_space<hbm>>
    %dma_start3A_63 = arith.constant 16384 : i32
    %dma_start3A_64 = tpu.memref_slice %arg6[%dma_start3A_63] : memref<65536xf32, #tpu.memory_space<vmem>> -> memref<8192xf32, #tpu.memory_space<vmem>>
    tpu.enqueue_dma source(%dma_start3A_64 : memref<8192xf32, #tpu.memory_space<vmem>>) target(%dma_start3A_62 : memref<8192xf32, #tpu.memory_space<hbm>>) target_semaphore(%arg8 : memref<!tpu.dma_semaphore, #tpu.memory_space<semaphore_mem>>)
    %mul3A_65 = arith.constant 524288 : i32
    %mul3A_66 = arith.muli %shift_right_logical3A_1, %mul3A_65 : i32
    %add3A_67 = arith.constant 196608 : i32
    %add3A_68 = arith.addi %mul3A_66, %add3A_67 : i32
    %mul3A_69 = arith.constant 1024 : i32
    %mul3A_70 = arith.muli %mul3A_4, %mul3A_69 : i32
    %add3A_71 = arith.addi %add3A_68, %mul3A_70 : i32
    %dma_start3A_72 = arith.constant 24576 : i32
    %dma_start3A_73 = tpu.memref_slice %arg6[%dma_start3A_72] : memref<65536xf32, #tpu.memory_space<vmem>> -> memref<8192xf32, #tpu.memory_space<vmem>>
    %dma_start3A_74 = tpu.memref_slice %arg3[%add3A_71] : memref<2097152xf32, #tpu.memory_space<hbm>> -> memref<8192xf32, #tpu.memory_space<hbm>>
    %dma_start3A_75 = tpu.memref_slice %arg3[%add3A_71] : memref<2097152xf32, #tpu.memory_space<hbm>> -> memref<8192xf32, #tpu.memory_space<hbm>>
    %dma_start3A_76 = arith.constant 24576 : i32
    %dma_start3A_77 = tpu.memref_slice %arg6[%dma_start3A_76] : memref<65536xf32, #tpu.memory_space<vmem>> -> memref<8192xf32, #tpu.memory_space<vmem>>
    tpu.enqueue_dma source(%dma_start3A_77 : memref<8192xf32, #tpu.memory_space<vmem>>) target(%dma_start3A_75 : memref<8192xf32, #tpu.memory_space<hbm>>) target_semaphore(%arg8 : memref<!tpu.dma_semaphore, #tpu.memory_space<semaphore_mem>>)
    %mul3A_78 = arith.constant 524288 : i32
    %mul3A_79 = arith.muli %shift_right_logical3A_1, %mul3A_78 : i32
    %add3A_80 = arith.constant 262144 : i32
    %add3A_81 = arith.addi %mul3A_79, %add3A_80 : i32
    %mul3A_82 = arith.constant 1024 : i32
    %mul3A_83 = arith.muli %mul3A_4, %mul3A_82 : i32
    %add3A_84 = arith.addi %add3A_81, %mul3A_83 : i32
    %dma_start3A_85 = arith.constant 32768 : i32
    %dma_start3A_86 = tpu.memref_slice %arg6[%dma_start3A_85] : memref<65536xf32, #tpu.memory_space<vmem>> -> memref<8192xf32, #tpu.memory_space<vmem>>
    %dma_start3A_87 = tpu.memref_slice %arg3[%add3A_84] : memref<2097152xf32, #tpu.memory_space<hbm>> -> memref<8192xf32, #tpu.memory_space<hbm>>
    %dma_start3A_88 = tpu.memref_slice %arg3[%add3A_84] : memref<2097152xf32, #tpu.memory_space<hbm>> -> memref<8192xf32, #tpu.memory_space<hbm>>
    %dma_start3A_89 = arith.constant 32768 : i32
    %dma_start3A_90 = tpu.memref_slice %arg6[%dma_start3A_89] : memref<65536xf32, #tpu.memory_space<vmem>> -> memref<8192xf32, #tpu.memory_space<vmem>>
    tpu.enqueue_dma source(%dma_start3A_90 : memref<8192xf32, #tpu.memory_space<vmem>>) target(%dma_start3A_88 : memref<8192xf32, #tpu.memory_space<hbm>>) target_semaphore(%arg8 : memref<!tpu.dma_semaphore, #tpu.memory_space<semaphore_mem>>)
    %mul3A_91 = arith.constant 524288 : i32
    %mul3A_92 = arith.muli %shift_right_logical3A_1, %mul3A_91 : i32
    %add3A_93 = arith.constant 327680 : i32
    %add3A_94 = arith.addi %mul3A_92, %add3A_93 : i32
    %mul3A_95 = arith.constant 1024 : i32
    %mul3A_96 = arith.muli %mul3A_4, %mul3A_95 : i32
    %add3A_97 = arith.addi %add3A_94, %mul3A_96 : i32
    %dma_start3A_98 = arith.constant 40960 : i32
    %dma_start3A_99 = tpu.memref_slice %arg6[%dma_start3A_98] : memref<65536xf32, #tpu.memory_space<vmem>> -> memref<8192xf32, #tpu.memory_space<vmem>>
    %dma_start3A_100 = tpu.memref_slice %arg3[%add3A_97] : memref<2097152xf32, #tpu.memory_space<hbm>> -> memref<8192xf32, #tpu.memory_space<hbm>>
    %dma_start3A_101 = tpu.memref_slice %arg3[%add3A_97] : memref<2097152xf32, #tpu.memory_space<hbm>> -> memref<8192xf32, #tpu.memory_space<hbm>>
    %dma_start3A_102 = arith.constant 40960 : i32
    %dma_start3A_103 = tpu.memref_slice %arg6[%dma_start3A_102] : memref<65536xf32, #tpu.memory_space<vmem>> -> memref<8192xf32, #tpu.memory_space<vmem>>
    tpu.enqueue_dma source(%dma_start3A_103 : memref<8192xf32, #tpu.memory_space<vmem>>) target(%dma_start3A_101 : memref<8192xf32, #tpu.memory_space<hbm>>) target_semaphore(%arg8 : memref<!tpu.dma_semaphore, #tpu.memory_space<semaphore_mem>>)
    %mul3A_104 = arith.constant 524288 : i32
    %mul3A_105 = arith.muli %shift_right_logical3A_1, %mul3A_104 : i32
    %add3A_106 = arith.constant 393216 : i32
    %add3A_107 = arith.addi %mul3A_105, %add3A_106 : i32
    %mul3A_108 = arith.constant 1024 : i32
    %mul3A_109 = arith.muli %mul3A_4, %mul3A_108 : i32
    %add3A_110 = arith.addi %add3A_107, %mul3A_109 : i32
    %dma_start3A_111 = arith.constant 49152 : i32
    %dma_start3A_112 = tpu.memref_slice %arg6[%dma_start3A_111] : memref<65536xf32, #tpu.memory_space<vmem>> -> memref<8192xf32, #tpu.memory_space<vmem>>
    %dma_start3A_113 = tpu.memref_slice %arg3[%add3A_110] : memref<2097152xf32, #tpu.memory_space<hbm>> -> memref<8192xf32, #tpu.memory_space<hbm>>
    %dma_start3A_114 = tpu.memref_slice %arg3[%add3A_110] : memref<2097152xf32, #tpu.memory_space<hbm>> -> memref<8192xf32, #tpu.memory_space<hbm>>
    %dma_start3A_115 = arith.constant 49152 : i32
    %dma_start3A_116 = tpu.memref_slice %arg6[%dma_start3A_115] : memref<65536xf32, #tpu.memory_space<vmem>> -> memref<8192xf32, #tpu.memory_space<vmem>>
    tpu.enqueue_dma source(%dma_start3A_116 : memref<8192xf32, #tpu.memory_space<vmem>>) target(%dma_start3A_114 : memref<8192xf32, #tpu.memory_space<hbm>>) target_semaphore(%arg8 : memref<!tpu.dma_semaphore, #tpu.memory_space<semaphore_mem>>)
    %mul3A_117 = arith.constant 524288 : i32
    %mul3A_118 = arith.muli %shift_right_logical3A_1, %mul3A_117 : i32
    %add3A_119 = arith.constant 458752 : i32
    %add3A_120 = arith.addi %mul3A_118, %add3A_119 : i32
    %mul3A_121 = arith.constant 1024 : i32
    %mul3A_122 = arith.muli %mul3A_4, %mul3A_121 : i32
    %add3A_123 = arith.addi %add3A_120, %mul3A_122 : i32
    %dma_start3A_124 = arith.constant 57344 : i32
    %dma_start3A_125 = tpu.memref_slice %arg6[%dma_start3A_124] : memref<65536xf32, #tpu.memory_space<vmem>> -> memref<8192xf32, #tpu.memory_space<vmem>>
    %dma_start3A_126 = tpu.memref_slice %arg3[%add3A_123] : memref<2097152xf32, #tpu.memory_space<hbm>> -> memref<8192xf32, #tpu.memory_space<hbm>>
    %dma_start3A_127 = tpu.memref_slice %arg3[%add3A_123] : memref<2097152xf32, #tpu.memory_space<hbm>> -> memref<8192xf32, #tpu.memory_space<hbm>>
    %dma_start3A_128 = arith.constant 57344 : i32
    %dma_start3A_129 = tpu.memref_slice %arg6[%dma_start3A_128] : memref<65536xf32, #tpu.memory_space<vmem>> -> memref<8192xf32, #tpu.memory_space<vmem>>
    tpu.enqueue_dma source(%dma_start3A_129 : memref<8192xf32, #tpu.memory_space<vmem>>) target(%dma_start3A_127 : memref<8192xf32, #tpu.memory_space<hbm>>) target_semaphore(%arg8 : memref<!tpu.dma_semaphore, #tpu.memory_space<semaphore_mem>>)
    %dma_wait3A_130 = arith.constant 0 : i32
    %dma_wait3A_131 = tpu.memref_slice %arg6[%dma_wait3A_130] : memref<65536xf32, #tpu.memory_space<vmem>> -> memref<8192xf32, #tpu.memory_space<vmem>>
    %dma_wait3A_132 = tpu.memref_slice %arg3[%add3A_32] : memref<2097152xf32, #tpu.memory_space<hbm>> -> memref<8192xf32, #tpu.memory_space<hbm>>
    %dma_wait3A_133 = tpu.memref_slice %arg3[%add3A_32] : memref<2097152xf32, #tpu.memory_space<hbm>> -> memref<8192xf32, #tpu.memory_space<hbm>>
    %dma_wait3A_134 = arith.constant 0 : i32
    %dma_wait3A_135 = tpu.memref_slice %arg6[%dma_wait3A_134] : memref<65536xf32, #tpu.memory_space<vmem>> -> memref<8192xf32, #tpu.memory_space<vmem>>
    tpu.wait_dma2 semaphore(%arg8 : memref<!tpu.dma_semaphore, #tpu.memory_space<semaphore_mem>>) src(%dma_wait3A_135 : memref<8192xf32, #tpu.memory_space<vmem>>) dst(%dma_wait3A_133 : memref<8192xf32, #tpu.memory_space<hbm>>)
    %dma_wait3A_136 = arith.constant 8192 : i32
    %dma_wait3A_137 = tpu.memref_slice %arg6[%dma_wait3A_136] : memref<65536xf32, #tpu.memory_space<vmem>> -> memref<8192xf32, #tpu.memory_space<vmem>>
    %dma_wait3A_138 = tpu.memref_slice %arg3[%add3A_45] : memref<2097152xf32, #tpu.memory_space<hbm>> -> memref<8192xf32, #tpu.memory_space<hbm>>
    %dma_wait3A_139 = tpu.memref_slice %arg3[%add3A_45] : memref<2097152xf32, #tpu.memory_space<hbm>> -> memref<8192xf32, #tpu.memory_space<hbm>>
    %dma_wait3A_140 = arith.constant 8192 : i32
    %dma_wait3A_141 = tpu.memref_slice %arg6[%dma_wait3A_140] : memref<65536xf32, #tpu.memory_space<vmem>> -> memref<8192xf32, #tpu.memory_space<vmem>>
    tpu.wait_dma2 semaphore(%arg8 : memref<!tpu.dma_semaphore, #tpu.memory_space<semaphore_mem>>) src(%dma_wait3A_141 : memref<8192xf32, #tpu.memory_space<vmem>>) dst(%dma_wait3A_139 : memref<8192xf32, #tpu.memory_space<hbm>>)
    %dma_wait3A_142 = arith.constant 16384 : i32
    %dma_wait3A_143 = tpu.memref_slice %arg6[%dma_wait3A_142] : memref<65536xf32, #tpu.memory_space<vmem>> -> memref<8192xf32, #tpu.memory_space<vmem>>
    %dma_wait3A_144 = tpu.memref_slice %arg3[%add3A_58] : memref<2097152xf32, #tpu.memory_space<hbm>> -> memref<8192xf32, #tpu.memory_space<hbm>>
    %dma_wait3A_145 = tpu.memref_slice %arg3[%add3A_58] : memref<2097152xf32, #tpu.memory_space<hbm>> -> memref<8192xf32, #tpu.memory_space<hbm>>
    %dma_wait3A_146 = arith.constant 16384 : i32
    %dma_wait3A_147 = tpu.memref_slice %arg6[%dma_wait3A_146] : memref<65536xf32, #tpu.memory_space<vmem>> -> memref<8192xf32, #tpu.memory_space<vmem>>
    tpu.wait_dma2 semaphore(%arg8 : memref<!tpu.dma_semaphore, #tpu.memory_space<semaphore_mem>>) src(%dma_wait3A_147 : memref<8192xf32, #tpu.memory_space<vmem>>) dst(%dma_wait3A_145 : memref<8192xf32, #tpu.memory_space<hbm>>)
    %dma_wait3A_148 = arith.constant 24576 : i32
    %dma_wait3A_149 = tpu.memref_slice %arg6[%dma_wait3A_148] : memref<65536xf32, #tpu.memory_space<vmem>> -> memref<8192xf32, #tpu.memory_space<vmem>>
    %dma_wait3A_150 = tpu.memref_slice %arg3[%add3A_71] : memref<2097152xf32, #tpu.memory_space<hbm>> -> memref<8192xf32, #tpu.memory_space<hbm>>
    %dma_wait3A_151 = tpu.memref_slice %arg3[%add3A_71] : memref<2097152xf32, #tpu.memory_space<hbm>> -> memref<8192xf32, #tpu.memory_space<hbm>>
    %dma_wait3A_152 = arith.constant 24576 : i32
    %dma_wait3A_153 = tpu.memref_slice %arg6[%dma_wait3A_152] : memref<65536xf32, #tpu.memory_space<vmem>> -> memref<8192xf32, #tpu.memory_space<vmem>>
    tpu.wait_dma2 semaphore(%arg8 : memref<!tpu.dma_semaphore, #tpu.memory_space<semaphore_mem>>) src(%dma_wait3A_153 : memref<8192xf32, #tpu.memory_space<vmem>>) dst(%dma_wait3A_151 : memref<8192xf32, #tpu.memory_space<hbm>>)
    %dma_wait3A_154 = arith.constant 32768 : i32
    %dma_wait3A_155 = tpu.memref_slice %arg6[%dma_wait3A_154] : memref<65536xf32, #tpu.memory_space<vmem>> -> memref<8192xf32, #tpu.memory_space<vmem>>
    %dma_wait3A_156 = tpu.memref_slice %arg3[%add3A_84] : memref<2097152xf32, #tpu.memory_space<hbm>> -> memref<8192xf32, #tpu.memory_space<hbm>>
    %dma_wait3A_157 = tpu.memref_slice %arg3[%add3A_84] : memref<2097152xf32, #tpu.memory_space<hbm>> -> memref<8192xf32, #tpu.memory_space<hbm>>
    %dma_wait3A_158 = arith.constant 32768 : i32
    %dma_wait3A_159 = tpu.memref_slice %arg6[%dma_wait3A_158] : memref<65536xf32, #tpu.memory_space<vmem>> -> memref<8192xf32, #tpu.memory_space<vmem>>
    tpu.wait_dma2 semaphore(%arg8 : memref<!tpu.dma_semaphore, #tpu.memory_space<semaphore_mem>>) src(%dma_wait3A_159 : memref<8192xf32, #tpu.memory_space<vmem>>) dst(%dma_wait3A_157 : memref<8192xf32, #tpu.memory_space<hbm>>)
    %dma_wait3A_160 = arith.constant 40960 : i32
    %dma_wait3A_161 = tpu.memref_slice %arg6[%dma_wait3A_160] : memref<65536xf32, #tpu.memory_space<vmem>> -> memref<8192xf32, #tpu.memory_space<vmem>>
    %dma_wait3A_162 = tpu.memref_slice %arg3[%add3A_97] : memref<2097152xf32, #tpu.memory_space<hbm>> -> memref<8192xf32, #tpu.memory_space<hbm>>
    %dma_wait3A_163 = tpu.memref_slice %arg3[%add3A_97] : memref<2097152xf32, #tpu.memory_space<hbm>> -> memref<8192xf32, #tpu.memory_space<hbm>>
    %dma_wait3A_164 = arith.constant 40960 : i32
    %dma_wait3A_165 = tpu.memref_slice %arg6[%dma_wait3A_164] : memref<65536xf32, #tpu.memory_space<vmem>> -> memref<8192xf32, #tpu.memory_space<vmem>>
    tpu.wait_dma2 semaphore(%arg8 : memref<!tpu.dma_semaphore, #tpu.memory_space<semaphore_mem>>) src(%dma_wait3A_165 : memref<8192xf32, #tpu.memory_space<vmem>>) dst(%dma_wait3A_163 : memref<8192xf32, #tpu.memory_space<hbm>>)
    %dma_wait3A_166 = arith.constant 49152 : i32
    %dma_wait3A_167 = tpu.memref_slice %arg6[%dma_wait3A_166] : memref<65536xf32, #tpu.memory_space<vmem>> -> memref<8192xf32, #tpu.memory_space<vmem>>
    %dma_wait3A_168 = tpu.memref_slice %arg3[%add3A_110] : memref<2097152xf32, #tpu.memory_space<hbm>> -> memref<8192xf32, #tpu.memory_space<hbm>>
    %dma_wait3A_169 = tpu.memref_slice %arg3[%add3A_110] : memref<2097152xf32, #tpu.memory_space<hbm>> -> memref<8192xf32, #tpu.memory_space<hbm>>
    %dma_wait3A_170 = arith.constant 49152 : i32
    %dma_wait3A_171 = tpu.memref_slice %arg6[%dma_wait3A_170] : memref<65536xf32, #tpu.memory_space<vmem>> -> memref<8192xf32, #tpu.memory_space<vmem>>
    tpu.wait_dma2 semaphore(%arg8 : memref<!tpu.dma_semaphore, #tpu.memory_space<semaphore_mem>>) src(%dma_wait3A_171 : memref<8192xf32, #tpu.memory_space<vmem>>) dst(%dma_wait3A_169 : memref<8192xf32, #tpu.memory_space<hbm>>)
    %dma_wait3A_172 = arith.constant 57344 : i32
    %dma_wait3A_173 = tpu.memref_slice %arg6[%dma_wait3A_172] : memref<65536xf32, #tpu.memory_space<vmem>> -> memref<8192xf32, #tpu.memory_space<vmem>>
    %dma_wait3A_174 = tpu.memref_slice %arg3[%add3A_123] : memref<2097152xf32, #tpu.memory_space<hbm>> -> memref<8192xf32, #tpu.memory_space<hbm>>
    %dma_wait3A_175 = tpu.memref_slice %arg3[%add3A_123] : memref<2097152xf32, #tpu.memory_space<hbm>> -> memref<8192xf32, #tpu.memory_space<hbm>>
    %dma_wait3A_176 = arith.constant 57344 : i32
    %dma_wait3A_177 = tpu.memref_slice %arg6[%dma_wait3A_176] : memref<65536xf32, #tpu.memory_space<vmem>> -> memref<8192xf32, #tpu.memory_space<vmem>>
    tpu.wait_dma2 semaphore(%arg8 : memref<!tpu.dma_semaphore, #tpu.memory_space<semaphore_mem>>) src(%dma_wait3A_177 : memref<8192xf32, #tpu.memory_space<vmem>>) dst(%dma_wait3A_175 : memref<8192xf32, #tpu.memory_space<hbm>>)
    %dma_wait3A_178 = tpu.memref_slice %arg4[%add3A_9] : memref<262144xf32, #tpu.memory_space<hbm>> -> memref<8192xf32, #tpu.memory_space<hbm>>
    %dma_wait3A_179 = tpu.memref_slice %arg4[%add3A_9] : memref<262144xf32, #tpu.memory_space<hbm>> -> memref<8192xf32, #tpu.memory_space<hbm>>
    tpu.wait_dma2 semaphore(%arg7 : memref<!tpu.dma_semaphore, #tpu.memory_space<semaphore_mem>>) src(%arg5 : memref<8192xf32, #tpu.memory_space<vmem>>) dst(%dma_wait3A_179 : memref<8192xf32, #tpu.memory_space<hbm>>)
    return
  }
}

</mosaic_0001>

<sc_bundles>
// kernel: kernel.3.cloned.1.call-start
scs
__scs_entry_jumppad:
0x0: {  	(pc) =	sbr.rel $0x88, $3  }
0x1: {  	(tag) =	ssettag $0x0;
	lr =	simm.s32 $0x1  }
0x2: {  	[smem:$0x3FA0] =	sst lr;
	_ =	strace $0xD0000000  }
0x3: {  	_ = 	snop  }
0x4: {  	_ = 	snop  }
0x5: {  	_ = 	snop  }
0x6: {  	_ = 	snop  }
0x7: {  	_ = 	snop  }
__scs_overlays_trampoline_lowered:
0x8: {  	[smem:$0x3FAF] =	sst s0  }
0x9: {  	[smem:$0x3FB0] =	sst s1  }
0xa: {  	[smem:$0x3FB1] =	sst s2  }
0xb: {  	[smem:$0x3FB2] =	sst s3  }
0xc: {  	[smem:$0x3FB3] =	sst s4  }
0xd: {  	[smem:$0x3FB4] =	sst s5  }
0xe: {  	[smem:$0x3FB5] =	sst s6  }
0xf: {  	[smem:$0x3FB6] =	sst s7  }
0x10: {  	[smem:$0x3FB7] =	sst s8  }
0x11: {  	[smem:$0x3FB8] =	sst s9;
	s0 =	simm.s32 @!p0 $0x0  }
0x12: {  	s1 =	sld [smem:$0x3F9E];
	s0 =	simm.s32 @p0 $0x1  }
0x13: {  	[smem:$0x3FB9] =	sst s0;
	s0 =	simm.s32 @!p1 $0x0  }
0x14: {  	s2 =	sld [smem:$0x3F9D];
	s0 =	simm.s32 @p1 $0x1  }
0x15: {  	[smem:$0x3FBA] =	sst s0;
	s0 =	simm.s32 @!p2 $0x0  }
0x16: {  	s3 =	sld [smem:$0x3FDB];
	s0 =	simm.s32 @p2 $0x1  }
0x17: {  	s4 =	simm.s32 $0x1BF5;
	[smem:$0x3FBC] =	sst s0  }
0x18: {  	s0 =	sld [smem:$0x3F9F];
	_ =	swait.ge [sflag:s4], $0x0  }
0x19: {  	s7 =	sld [smem:$0x3FA0]  }
0x1a: {  	s8 =	sadd.s32 $0xFFFFE003, lr  }
0x1b: {  	s9 =	sadd.s32 $0xFFFFFEF7, lr;
	s5 =	simm.s32 $0xFFFFFFFF;
	p2 =	slt.u32 s8, $0xFFFFF086  }
0x1c: {  	p1 =	slt.u32 s9, $0xF7A;
	s5 =	simm.s32 @!p2 $0x0  }
0x1d: {  	s5 =	simm.s32 @p1 $0x1;
	p0 =	seq.s32 s7, s2  }
0x1e: {  	s7 =	smul.u32 @!p0 $0xF7A, s2;
	p2 =	seq.s32 @!p0 s5, $0x0  }
0x1f: {  	s9 =	smul.u32 $0xF7A, s1;
	s8 =	simm.s32 @!p0 $0x1BF5;
	p2 =	por !p2, p0  }
0x20: {  	[sflag:s8] =	ssyncset.s32 @!p0 $0xFFFFF086;
	s6 =	sadd.s32 @!p0 s3, s7;
	s7 =	simm.s32 @!p0 $0x108  }
0x21: {  	s3 =	sadd.s32 s3, s9;
	s6 =	sadd.s32 @!p0 $0x88, s6;
	s7 =	simm.s32 @p2 $0x1082  }
0x22: {  	[simem:s7], [sflag:s8] =	dma.local @!p0 [hbm:s6], $0xF7A  }
0x23: {  	s9 =	sor.u32 $0xD0000000, s2;
	s6 =	simm.s32 $0x108;
	_ =	swait.ge @!p0 [sflag:s8], $0x0  }
0x24: {  	s3 =	sadd.s32 $0x88, s3;
	s6 =	simm.s32 @!p1 $0x1082;
	[sflag:s4] =	ssyncset.s32 $0xFFFFF086  }
0x25: {  	[simem:s6], [sflag:s4] =	dma.local [hbm:s3], $0xF7A  }
0x26: {  	[smem:$0x3FA0] =	sst s1;
	(tag) =	ssettag s2;
	_ =	strace s9  }
0x27: {  	s1 =	sld [smem:$0x3FB0]  }
0x28: {  	s2 =	sld [smem:$0x3FB1]  }
0x29: {  	s4 =	sld [smem:$0x3FB3]  }
0x2a: {  	p0 =	seq.s32 s5, $0x0;
	s5 =	sld [smem:$0x3FB4]  }
0x2b: {  	s6 =	sld [smem:$0x3FB5]  }
0x2c: {  	s7 =	sld [smem:$0x3FB6]  }
0x2d: {  	s3 =	simm.s32 $0x108;
	s8 =	sld [smem:$0x3FB7]  }
0x2e: {  	s3 =	simm.s32 @!p0 $0x1082;
	s9 =	sld [smem:$0x3FB8]  }
0x2f: {  	lr =	sadd.s32 s0, s3;
	s0 =	sld [smem:$0x3FAF]  }
0x30: {  	s3 =	sld [smem:$0x3FB2]  }
0x31: {  	[smem:$0x3FBB] =	sst s10  }
0x32: {  	s10 =	sld [smem:$0x3FB9];
	_ =	sdelay $0x3  }
0x33: {  	p0 =	seq.s32 s10, $0x1;
	s10 =	sld [smem:$0x3FBB];
	_ =	sdelay $0x3  }
0x34: {  	[smem:$0x3FBB] =	sst s10  }
0x35: {  	s10 =	sld [smem:$0x3FBA];
	_ =	sdelay $0x3  }
0x36: {  	p1 =	seq.s32 s10, $0x1;
	s10 =	sld [smem:$0x3FBB];
	_ =	sdelay $0x3  }
0x37: {  	[smem:$0x3FBB] =	sst s10  }
0x38: {  	s10 =	sld [smem:$0x3FBC]  }
0x39: {  	_ = 	snop;
	(pc) =	sbr.ind lr, $3  }
0x3a: {  	_ = 	snop  }
0x3b: {  	_ = 	snop  }
0x3c: {  	p2 =	seq.s32 s10, $0x1;
	s10 =	sld [smem:$0x3FBB]  }
0x3d: {  	_ =	shalt  }
0x3e: {  	_ =	shalt  }
0x3f: {  	_ =	shalt  }
0x40: {  	_ =	shalt  }
0x41: {  	_ =	shalt  }
0x42: {  	_ =	shalt  }
0x43: {  	_ =	shalt  }
0x44: {  	_ =	shalt  }
0x45: {  	_ =	shalt  }
0x46: {  	_ =	shalt  }
0x47: {  	_ =	shalt  }
0x48: {  	_ =	shalt  }
0x49: {  	_ =	shalt  }
0x4a: {  	_ =	shalt  }
0x4b: {  	_ =	shalt  }
0x4c: {  	_ =	shalt  }
0x4d: {  	_ =	shalt  }
0x4e: {  	_ =	shalt  }
0x4f: {  	_ =	shalt  }
0x50: {  	_ =	shalt  }
0x51: {  	_ =	shalt  }
0x52: {  	_ =	shalt  }
0x53: {  	_ =	shalt  }
0x54: {  	_ =	shalt  }
0x55: {  	_ =	shalt  }
0x56: {  	_ =	shalt  }
0x57: {  	_ =	shalt  }
0x58: {  	_ =	shalt  }
0x59: {  	_ =	shalt  }
0x5a: {  	_ =	shalt  }
0x5b: {  	_ =	shalt  }
0x5c: {  	_ =	shalt  }
0x5d: {  	_ =	shalt  }
0x5e: {  	_ =	shalt  }
0x5f: {  	_ =	shalt  }
0x60: {  	_ =	shalt  }
0x61: {  	_ =	shalt  }
0x62: {  	_ =	shalt  }
0x63: {  	_ =	shalt  }
0x64: {  	_ =	shalt  }
0x65: {  	_ =	shalt  }
0x66: {  	_ =	shalt  }
0x67: {  	_ =	shalt  }
0x68: {  	_ =	shalt  }
0x69: {  	_ =	shalt  }
0x6a: {  	_ =	shalt  }
0x6b: {  	_ =	shalt  }
0x6c: {  	_ =	shalt  }
0x6d: {  	_ =	shalt  }
0x6e: {  	_ =	shalt  }
0x6f: {  	_ =	shalt  }
0x70: {  	_ =	shalt  }
0x71: {  	_ =	shalt  }
0x72: {  	_ =	shalt  }
0x73: {  	_ =	shalt  }
0x74: {  	_ =	shalt  }
0x75: {  	_ =	shalt  }
0x76: {  	_ =	shalt  }
0x77: {  	_ =	shalt  }
0x78: {  	_ =	shalt  }
0x79: {  	_ =	shalt  }
0x7a: {  	_ =	shalt  }
0x7b: {  	_ =	shalt  }
0x7c: {  	_ =	shalt  }
0x7d: {  	_ =	shalt  }
0x7e: {  	_ =	shalt  }
0x7f: {  	_ =	shalt  }
0x80: {  	_ =	shalt  }
0x81: {  	_ =	shalt  }
0x82: {  	_ =	shalt  }
0x83: {  	_ =	shalt  }
0x84: {  	_ =	shalt  }
0x85: {  	_ =	shalt  }
0x86: {  	_ =	shalt  }
0x87: {  	_ =	shalt  }
.Lfunc_end0:
.L_simem_size_0:
called_computation_lowered:
.L_overlay_start_0:
0x88: {  	s2 =	sld [smem:$0x3FD9]  }
0x89: {  	s3 =	sld [smem:$0x3FFE];
	_ =	sdelay $0x1  }
0x8a: {  	s1 =	srdreg.scid  }
0x8b: {  	s0 =	sand.u32 $0x1, s1  }
0x8c: {  	s15 =	sshll.u32 s0, $0xA;
	s2 =	sadd.s32 s3, s2  }
0x8d: {  	s2 =	sadd.s32 s2, s15  }
0x8e: {  	[smem:$0x3FC7] =	sst s2  }
0x8f: {  	_ = 	snop  }
0x90: {  	s2 =	sld [smem:$0x3FD0];
	_ =	sdelay $0x2  }
0x91: {  	s4 =	simm.s32 $0xA;
	s5 =	simm.s32 $0x10;
	s16 =	sld [smem:$0x3FC9]  }
0x92: {  	[smem:s5], [sflag:s4] =	dma.local [hbm:s2], $0x1  }
0x93: {  	_ =	swait.eq [sflag:s4], $0x1  }
0x94: {  	[sflag:s4] =	ssyncset.done $0x0  }
0x95: {  	s17 =	sld [smem:$0x10];
	[sflag:s4] =	ssyncadd.s32 $0xFFFFFFFF  }
0x96: {  	s18 =	sld [smem:$0x11];
	(tm) =	ssettm $0x1  }
0x97: {  	s19 =	sld [smem:$0x3FFB];
	_ =	sdelay $0x3  }
0x98: {  	_ =	strace s19  }
0x99: {  	s5 =	sld [smem:$0x3FFC];
	_ =	sdelay $0x3  }
0x9a: {  	_ =	strace s5  }
0x9b: {  	s5 =	sld [smem:$0x3FFD];
	_ =	sdelay $0x3  }
0x9c: {  	_ =	strace s5  }
0x9d: {  	_ =	strace $0x8FFFFFFF  }
0x9e: {  	s20 =	sld [smem:$0x3FDB];
	_ =	sdelay $0x1  }
0x9f: {  	s6 =	simm.s32 $_scs_section_size  }
0xa0: {  	s7 =	simm.s32 $_size__tile_overlayer_lowered;
	s8 =	simm.s32 $_tile_overlayer_lowered  }
0xa1: {  	s23 =	simm.s32 $0x1BFF;
	s22 =	sshll.u32 s8, $0x1;
	s5 =	sadd.s32 s6, s20  }
0xa2: {  	s9 =	simm.s32 $0x0;
	s21 =	sshll.u32 s7, $0x1;
	s7 =	sadd.s32 s22, s5  }
0xa3: {  	[timem:s9], [sflag:s23] =	dma.local [hbm:s7], s21  }
0xa4: {  	_ =	swait.ge [sflag:s23], s21  }
0xa5: {  	s6 =	ssub.s32 $0x0, s21;
	[sflag:s23] =	ssyncset.done $0x0  }
0xa6: {  	[sflag:s23] =	ssyncadd.s32 s6;
	_ =	sdelay $0x1  }
0xa7: {  	s24 =	simm.s32 $0x1B8B  }
0xa8: {  	_ =	swait.ge [sflag:s24], $0x1  }
0xa9: {  	[sflag:s24] =	ssyncset.done $0x0  }
0xaa: {  	s25 =	simm.s32 $0x1B8E;
	[sflag:s24] =	ssyncadd.s32 $0xFFFFFFFF  }
0xab: {  	s26 =	simm.s32 $execute0_lowered;
	[smem:$0x3FD2] =	sst s25  }
0xac: {  	s6 =	sshll.u32 s26, $0x1;
	_ =	strace $0x80000046;
	[dreg:$0x1] =	wrdreg $0xFFFFFFFF  }
0xad: {  	s28 =	simm.s32 $_size_execute0_lowered;
	s5 =	sadd.s32 s5, s6;
	[dreg:$0x0] =	wrdreg $0x0  }
0xae: {  	s6 =	sshll.u32 s28, $0x1;
	[dreg:$0x2] =	wrdreg s5  }
0xaf: {  	[dreg:$0x3] =	wrdreg s6  }
0xb0: {  	[dreg:$0x4] =	wrdreg $0xC0  }
0xb1: {  	_ =	task [dreg:s9], $0x5FFFF  }
0xb2: {  	[dreg:$0x1] =	wrdreg $0xFFFFFFFF  }
0xb3: {  	[dreg:$0x0] =	wrdreg $0x60  }
0xb4: {  	[dreg:$0x2] =	wrdreg s16  }
0xb5: {  	[dreg:$0x3] =	wrdreg s17  }
0xb6: {  	[dreg:$0x4] =	wrdreg s18  }
0xb7: {  	[dreg:$0x5] =	wrdreg $0x9  }
0xb8: {  	_ =	task.clear_ibuf [dreg:s9], $0x6FFFF;
	_ =	strace $0x90000046  }
0xb9: {  	s29 =	simm.s32 $0x9;
	_ =	strace $0x80000048  }
0xba: {  	_ =	swait.ge [sflag:s29], $0x1  }
0xbb: {  	[sflag:s29] =	ssyncadd.s32 $0xFFFFFFFF  }
0xbc: {  	_ =	strace $0x90000048  }
0xbd: {  	_ =	sfence  }
0xbe: {  	s30 =	sld [smem:$0x0];
	_ =	sdelay $0x2  }
0xbf: {  	s31 =	sshll.u32 s1, $0xD;
	s1 =	sshrl.u32 s1, $0x2  }
0xc0: {  	s3 =	sand.u32 $0x4000, s31;
	s1 =	sadd.s32 s1, s30  }
0xc1: {  	s0 =	sor.u32 s3, s0;
	s1 =	sshll.u32 s1, $0x11  }
0xc2: {  	s0 =	sor.u32 s1, s0  }
0xc3: {  	s0 =	sadd.s32 $0x8F2B, s0  }
0xc4: {  	[sflag:s0] =	ssyncadd.remote.s32 $0x1  }
0xc5: {  	_ =	sfence.sel $0xFFFF  }
0xc6: {  	[dreg:$0x0] =	wrdreg $0xFFFFFFFF;
	(pc) =	sbr.abs _section_cstart, $3  }
0xc7: {  	[dreg:$0x1] =	wrdreg $0xFFFFFFFF  }
0xc8: {  	_ =	task.clear_ibuf [dreg:s9], $0x2FFFF;
	_ =	strace $0x9FFFFFFF  }
0xc9: {  	(tm) =	ssettm $0x7FFFFFFF  }
tec
execute0_lowered:
.L_overlay_start_1:
0x0: {  	(tag) =	ssettag $0x1  }
0x1: {  	s4 =	rddreg [dreg:$0x0]  }
0x2: {  	s3 =	rddreg [dreg:$0x1]  }
0x3: {  	s5 =	rddreg [dreg:$0x2]  }
0x4: {  	s0 =	rddreg [dreg:$0x3]  }
0x5: {  	s2 =	simm.s32 $0x0;
	s6 =	srdreg.scid;
	s1 =	stileid.u32  }
0x6: {  	s14 =	simm.s32 $0x1;
	s15 =	simm.s32 $0x2000;
	s16 =	simm.s32 $0x4000  }
0x7: {  	s17 =	simm.s32 $0x6000;
	s18 =	simm.s32 $0x8000;
	[smem:$0x7FF] =	sst s2  }
0x8: {  	v0 =	vimm.f32 $1.000000000e+01;
	s19 =	simm.s32 $0xA000;
	s20 =	simm.s32 $0xC000;
	_ =	strace $0x80000047  }
0x9: {  	s21 =	simm.s32 $0xE000;
	s22 =	simm.s32 $0x10000;
	s23 =	simm.s32 $0x2;
	(erf) = vrcp.f32 v0  }
0xa: {  	s24 =	simm.s32 $0x0;
	s6 =	sand.u32 $0x1, s6;
	s7 =	sshll.u32 s1, $0xE  }
0xb: {  	s8 =	sshrl.u32 s1, $0x2;
	s9 =	sshll.u32 s6, $0xD;
	s7 =	sand.u32 $0xC000, s7  }
0xc: {  	s29 =	sshll.u32 s8, $0x13;
	s6 =	ssub.s32 $0x2, s6;
	s7 =	sor.u32 s9, s7  }
0xd: {  	s8 =	sshll.u32 s8, $0x10;
	s10 =	sshrl.u32 s6, $0x1;
	s9 =	sor.u32 s29, s7  }
0xe: {  	s7 =	sor.u32 s8, s7;
	s13 =	ssub.s32 s6, s10;
	s30 =	sshrl.u32 s9, $0x3  }
0xf: {  	s31 =	sshrl.u32 s7, $0x3;
	s13 =	smax.u32 s13, $0x1;
	s3 =	sadd.s32 s3, s30  }
0x10: {  	s4 =	sadd.s32 s4, s31;
	s5 =	sadd.s32 s5, s31;
	s6 =	sadd.s32 $0x2000, s3  }
0x11: {  	s7 =	sadd.s32 $0x4000, s3;
	s8 =	sadd.s32 $0x6000, s3;
	s9 =	sadd.s32 $0x8000, s3  }
0x12: {  	v1 =	vimm.f32 $0.0e+00;
	v2 =	vlaneseq.u32;
	s10 =	sadd.s32 $0xA000, s3;
	s11 =	sadd.s32 $0xC000, s3;
	s12 =	sadd.s32 $0xE000, s3;
	v0 =	vpop (erf)  }
.LBB2_1:
0x13: {  	[tilespmem:s2], [sflag:$0x1] =	stream.linear.gather [hbm4b:s4+s2], $0x2000, $0x38;
	[tilespmem:$0x12000] =	vst v63  }
0x14: {  	s25 =	simm.s32 $0x2080  }
0x15: {  	[tilespmem:s25+$0xFFFFFF80] =	vst v1  }
0x16: {  	[tilespmem:s25+$0x70] =	vst v1  }
0x17: {  	[tilespmem:s25+$0x60] =	vst v1  }
0x18: {  	[tilespmem:s25+$0x50] =	vst v1  }
0x19: {  	[tilespmem:s25+$0x40] =	vst v1  }
0x1a: {  	[tilespmem:s25+$0x30] =	vst v1  }
0x1b: {  	[tilespmem:s25+$0x20] =	vst v1  }
0x1c: {  	[tilespmem:s25+$0x10] =	vst v1  }
0x1d: {  	[tilespmem:s25+$0x0] =	vst v1  }
0x1e: {  	[tilespmem:s25+$0xFFFFFFF0] =	vst v1  }
0x1f: {  	[tilespmem:s25+$0xFFFFFFE0] =	vst v1  }
0x20: {  	[tilespmem:s25+$0xFFFFFFD0] =	vst v1  }
0x21: {  	[tilespmem:s25+$0xFFFFFFC0] =	vst v1  }
0x22: {  	[tilespmem:s25+$0xFFFFFFB0] =	vst v1  }
0x23: {  	s26 =	simm.s32 $0x0;
	[tilespmem:s25+$0xFFFFFFA0] =	vst v1  }
.LBB2_2:
0x24: {  	s26 =	sadd.s32 $0x10, s26;
	[tilespmem:s25+$0xFFFFFF90] =	vst v1;
	s25 =	sadd.s32 $0x100, s25  }
0x25: {  	[tilespmem:s25+$0xFFFFFF80] =	vst v1;
	p0 =	slt.u32 s26, $0xFF0  }
0x26: {  	[tilespmem:s25+$0x70] =	vst v1  }
0x27: {  	[tilespmem:s25+$0x60] =	vst v1  }
0x28: {  	[tilespmem:s25+$0x50] =	vst v1  }
0x29: {  	[tilespmem:s25+$0x40] =	vst v1  }
0x2a: {  	[tilespmem:s25+$0x30] =	vst v1  }
0x2b: {  	[tilespmem:s25+$0x20] =	vst v1  }
0x2c: {  	[tilespmem:s25+$0x10] =	vst v1  }
0x2d: {  	[tilespmem:s25+$0x0] =	vst v1  }
0x2e: {  	[tilespmem:s25+$0xFFFFFFF0] =	vst v1  }
.Ltmp0:
0x2f: {  	[tilespmem:s25+$0xFFFFFFE0] =	vst v1;
	(pc) =	sbr.rel @p0 .LBB2_2-.Ltmp0, $4  }
0x30: {  	[tilespmem:s25+$0xFFFFFFD0] =	vst v1  }
0x31: {  	[tilespmem:s25+$0xFFFFFFC0] =	vst v1  }
0x32: {  	[tilespmem:s25+$0xFFFFFFB0] =	vst v1  }
0x33: {  	[tilespmem:s25+$0xFFFFFFA0] =	vst v1  }
0x34: {  	[tilespmem:s25+$0xFFFFFF90] =	vst v1  }
0x35: {  	_ =	swait.ge [sflag:s14], $0x2000  }
0x36: {  	s25 =	simm.s32 $0x0;
	[sflag:s14] =	ssyncset.done $0x0  }
0x37: {  	s26 =	simm.s32 $0xFFFFFFFC;
	s28 =	simm.s32 $0x0;
	[sflag:s14] =	ssyncadd.s32 $0xFFFFE000  }
0x38: {  	[hbm4b:s5+s25] =	stream.linear.scatter [tilespmem:s25], [sflag:$0x1], $0x2000, $0x38;
	[tilespmem:$0x12000] =	vst v63  }
.LBB2_4:
0x39: {  	s29 =	sand.u32 $0x1C00, s25;
	s30 =	sand.u32 $0x40, s28  }
0x3a: {  	s29 =	sor.u32 s30, s29  }
0x3b: {  	v3 =	vld [tilespmem:s29+$0x0];
	_ =	sdelay $0x4  }
0x3c: {  	v3 =	vadd.f32 $1.258291200e+07, v3;
	_ =	sdelay $0x1  }
0x3d: {  	v3 =	vadd.f32 $-1.258291200e+07, v3;
	_ =	sdelay $0x1  }
0x3e: {  	v3 =	vmax.f32 v3, $0.0e+00  }
0x3f: {  	v3 =	vtrunc.f32 v3  }
0x40: {  	v3 =	vcvt.f32.s32 v3;
	_ =	sdelay $0x1  }
0x41: {  	v4 =	vshll.u32 v3, $0x7  }
0x42: {  	v5 =	vshll.u32 v3, $0xA;
	v4 =	vand.u32 $0x380, v4  }
0x43: {  	v5 =	vand.u32 $0xE000, v5;
	v4 =	vor.u32 s29, v4  }
0x44: {  	v4 =	vor.u32 v5, v4  }
0x45: {  	v3 =	vand.u32 $0x3F, v3;
	v4 =	vor.u32 v2, v4  }
0x46: {  	v3 =	vcvt.s32.f32 v3;
	_ =	sdelay $0x1  }
0x47: {  	v3 =	vmul.f32 v3, v0;
	_ =	sdelay $0x1  }
0x48: {  	[tilespmem:v4+s15+$0x0] =	vst.idx.msk $0xffff, v3  }
0x49: {  	v3 =	vld [tilespmem:s29+$0x10];
	_ =	sdelay $0x4  }
0x4a: {  	v3 =	vadd.f32 $1.258291200e+07, v3;
	_ =	sdelay $0x1  }
0x4b: {  	v3 =	vadd.f32 $-1.258291200e+07, v3;
	_ =	sdelay $0x1  }
0x4c: {  	v3 =	vmax.f32 v3, $0.0e+00  }
0x4d: {  	v3 =	vtrunc.f32 v3  }
0x4e: {  	v3 =	vcvt.f32.s32 v3;
	_ =	sdelay $0x1  }
0x4f: {  	v58 =	vshll.u32 v3, $0x7  }
0x50: {  	s30 =	sor.u32 $0x10, s29;
	v59 =	vshll.u32 v3, $0xA;
	v4 =	vand.u32 $0x380, v58  }
0x51: {  	v5 =	vand.u32 $0xE000, v59;
	v4 =	vor.u32 s30, v4  }
0x52: {  	v4 =	vor.u32 v5, v4  }
0x53: {  	v3 =	vand.u32 $0x3F, v3;
	v4 =	vor.u32 v2, v4  }
0x54: {  	v3 =	vcvt.s32.f32 v3;
	_ =	sdelay $0x1  }
0x55: {  	v3 =	vmul.f32 v3, v0;
	_ =	sdelay $0x1  }
0x56: {  	[tilespmem:v4+s15+$0x0] =	vst.idx.msk $0xffff, v3  }
0x57: {  	v3 =	vld [tilespmem:s29+$0x20];
	_ =	sdelay $0x4  }
0x58: {  	v3 =	vadd.f32 $1.258291200e+07, v3;
	_ =	sdelay $0x1  }
0x59: {  	v3 =	vadd.f32 $-1.258291200e+07, v3;
	_ =	sdelay $0x1  }
0x5a: {  	v3 =	vmax.f32 v3, $0.0e+00  }
0x5b: {  	v3 =	vtrunc.f32 v3  }
0x5c: {  	v3 =	vcvt.f32.s32 v3;
	_ =	sdelay $0x1  }
0x5d: {  	v60 =	vshll.u32 v3, $0x7  }
0x5e: {  	s31 =	sor.u32 $0x20, s29;
	v61 =	vshll.u32 v3, $0xA;
	v4 =	vand.u32 $0x380, v60  }
0x5f: {  	v5 =	vand.u32 $0xE000, v61;
	v4 =	vor.u32 s31, v4  }
0x60: {  	v4 =	vor.u32 v5, v4  }
0x61: {  	v3 =	vand.u32 $0x3F, v3;
	v4 =	vor.u32 v2, v4  }
0x62: {  	v3 =	vcvt.s32.f32 v3;
	_ =	sdelay $0x1  }
0x63: {  	v3 =	vmul.f32 v3, v0;
	_ =	sdelay $0x1  }
0x64: {  	[tilespmem:v4+s15+$0x0] =	vst.idx.msk $0xffff, v3  }
0x65: {  	v3 =	vld [tilespmem:s29+$0x30];
	_ =	sdelay $0x4  }
0x66: {  	v3 =	vadd.f32 $1.258291200e+07, v3;
	_ =	sdelay $0x1  }
0x67: {  	v3 =	vadd.f32 $-1.258291200e+07, v3;
	_ =	sdelay $0x1  }
0x68: {  	v3 =	vmax.f32 v3, $0.0e+00  }
0x69: {  	v3 =	vtrunc.f32 v3  }
0x6a: {  	v3 =	vcvt.f32.s32 v3;
	_ =	sdelay $0x1  }
0x6b: {  	v62 =	vshll.u32 v3, $0x7  }
0x6c: {  	s29 =	sor.u32 $0x30, s29;
	v63 =	vshll.u32 v3, $0xA;
	v4 =	vand.u32 $0x380, v62  }
0x6d: {  	v5 =	vand.u32 $0xE000, v63;
	v4 =	vor.u32 s29, v4  }
0x6e: {  	s26 =	sadd.s32 $0x4, s26;
	v4 =	vor.u32 v5, v4  }
0x6f: {  	p0 =	slt.u32 s26, $0x3C;
	v3 =	vand.u32 $0x3F, v3;
	v4 =	vor.u32 v2, v4  }
.Ltmp1:
0x70: {  	v3 =	vcvt.s32.f32 v3;
	(pc) =	sbr.rel @p0 .LBB2_4-.Ltmp1, $3  }
0x71: {  	_ = 	snop  }
0x72: {  	v3 =	vmul.f32 v3, v0;
	_ =	sdelay $0x1  }
0x73: {  	s28 =	sadd.s32 $0x40, s28;
	s25 =	sadd.s32 $0x200, s25;
	[tilespmem:v4+s15+$0x0] =	vst.idx.msk $0xffff, v3  }
0x74: {  	[hbm4b:s3+s2] =	stream.linear.scatter [tilespmem:s15], [sflag:$0x2], $0x2000, $0x38;
	[tilespmem:$0x12000] =	vst v63  }
0x75: {  	_ = 	snop  }
0x76: {  	[hbm4b:s6+s2] =	stream.linear.scatter [tilespmem:s16], [sflag:$0x2], $0x2000, $0x38;
	[tilespmem:$0x12000] =	vst v63  }
0x77: {  	_ = 	snop  }
0x78: {  	[hbm4b:s7+s2] =	stream.linear.scatter [tilespmem:s17], [sflag:$0x2], $0x2000, $0x38;
	[tilespmem:$0x12000] =	vst v63  }
0x79: {  	_ = 	snop  }
0x7a: {  	[hbm4b:s8+s2] =	stream.linear.scatter [tilespmem:s18], [sflag:$0x2], $0x2000, $0x38;
	[tilespmem:$0x12000] =	vst v63  }
0x7b: {  	_ = 	snop  }
0x7c: {  	[hbm4b:s9+s2] =	stream.linear.scatter [tilespmem:s19], [sflag:$0x2], $0x2000, $0x38;
	[tilespmem:$0x12000] =	vst v63  }
0x7d: {  	_ = 	snop  }
0x7e: {  	[hbm4b:s10+s2] =	stream.linear.scatter [tilespmem:s20], [sflag:$0x2], $0x2000, $0x38;
	[tilespmem:$0x12000] =	vst v63  }
0x7f: {  	_ = 	snop  }
0x80: {  	[hbm4b:s11+s2] =	stream.linear.scatter [tilespmem:s21], [sflag:$0x2], $0x2000, $0x38;
	[tilespmem:$0x12000] =	vst v63  }
0x81: {  	_ = 	snop  }
0x82: {  	[hbm4b:s12+s2] =	stream.linear.scatter [tilespmem:s22], [sflag:$0x2], $0x2000, $0x38;
	[tilespmem:$0x12000] =	vst v63  }
0x83: {  	_ =	swait.ge [sflag:s23], $0x2000  }
0x84: {  	[sflag:s23] =	ssyncset.done $0x0  }
0x85: {  	[sflag:s23] =	ssyncadd.s32 $0xFFFFE000  }
0x86: {  	_ =	swait.ge [sflag:s23], $0x2000  }
0x87: {  	[sflag:s23] =	ssyncset.done $0x0  }
0x88: {  	[sflag:s23] =	ssyncadd.s32 $0xFFFFE000  }
0x89: {  	_ =	swait.ge [sflag:s23], $0x2000  }
0x8a: {  	[sflag:s23] =	ssyncset.done $0x0  }
0x8b: {  	[sflag:s23] =	ssyncadd.s32 $0xFFFFE000  }
0x8c: {  	_ =	swait.ge [sflag:s23], $0x2000  }
0x8d: {  	[sflag:s23] =	ssyncset.done $0x0  }
0x8e: {  	[sflag:s23] =	ssyncadd.s32 $0xFFFFE000  }
0x8f: {  	_ =	swait.ge [sflag:s23], $0x2000  }
0x90: {  	[sflag:s23] =	ssyncset.done $0x0  }
0x91: {  	[sflag:s23] =	ssyncadd.s32 $0xFFFFE000  }
0x92: {  	_ =	swait.ge [sflag:s23], $0x2000  }
0x93: {  	[sflag:s23] =	ssyncset.done $0x0  }
0x94: {  	[sflag:s23] =	ssyncadd.s32 $0xFFFFE000  }
0x95: {  	_ =	swait.ge [sflag:s23], $0x2000  }
0x96: {  	[sflag:s23] =	ssyncset.done $0x0  }
0x97: {  	s24 =	sadd.s32 $0x1, s24;
	[sflag:s23] =	ssyncadd.s32 $0xFFFFE000  }
0x98: {  	p0 =	sne.s32 s24, s13;
	_ =	swait.ge [sflag:s23], $0x2000  }
.Ltmp2:
0x99: {  	[sflag:s23] =	ssyncset.done $0x0;
	(pc) =	sbr.rel @p0 .LBB2_1-.Ltmp2, $4  }
0x9a: {  	[sflag:s23] =	ssyncadd.s32 $0xFFFFE000  }
0x9b: {  	_ =	swait.ge [sflag:s14], $0x2000  }
0x9c: {  	[sflag:s14] =	ssyncset.done $0x0  }
0x9d: {  	[sflag:s14] =	ssyncadd.s32 $0xFFFFE000  }
0x9e: {  	_ =	sfence.sel $0x180000  }
0x9f: {  	[bflag:$0x0] =	sbarrier.arrive $0xFFFF  }
0xa0: {  	p0 =	sne.s32 s1, $0x0;
	_ =	strace $0x90000047  }
0xa1: {  	s0 =	sadd.s32 @!p0 $0x100000, s0;
	[bflag:$0x2] =	sbarrier.arrive $0xFFFF  }
0xa2: {  	[sflag:s0] =	ssyncadd.tile.s32 @!p0 $0x1;
	_ =	shalt  }
.Lfunc_end2:
_tile_overlayer_lowered:
.L_overlay_start_2:
0xa3: {  	(tag) =	ssettag $0x2  }
0xa4: {  	s0 =	rddreg [dreg:$0x0];
	s2 =	stileid.u32  }
0xa5: {  	s1 =	rddreg [dreg:$0x1];
	p0 =	sne.s32 s2, $0x0  }
0xa6: {  	s3 =	rddreg [dreg:$0x2];
	[bflag:$0x3] =	sbarrier.arrive $0xFFFF;
	s2 =	simm.s32 @!p0 $0x1C03  }
0xa7: {  	[timem:s3], [sflag:s2] =	dma.local @!p0 [hbm:s0], s1  }
0xa8: {  	s0 =	simm.s32 @!p0 $0x3  }
0xa9: {  	_ =	swait.ge @!p0 [sflag:s0], s1  }
0xaa: {  	s1 =	ssub.s32 @!p0 $0x0, s1;
	[sflag:s0] =	ssyncset.done @!p0 $0x0  }
0xab: {  	[sflag:s0] =	ssyncadd.s32 @!p0 s1  }
0xac: {  	[bflag:$0x3] =	sbarrier.arrive $0xFFFF  }
0xad: {  	_ =	shalt  }

</sc_bundles>
